<compile_context>
chip_gen: v7x
topology: tpu7x:2x2x1
jax: 0.10.2.dev20260603
libtpu: 0.0.44.dev20260713+nightly
codegen_flags: <defaults>
</compile_context>

<pallas_src>
import functools

import jax
import jax.numpy as jnp
from jax import lax
from jax.experimental import pallas as pl
from jax.experimental.pallas import tpu as pltpu
from jax.experimental.pallas import tpu_sc as plsc

_NC = 2
_NS = 16


def _sc_copy(table_hbm, out_hbm, buf, in_sems, out_sems, *, rows_per_c, chunk,
             nslots):
    cid = lax.axis_index("c")
    sid = lax.axis_index("s")
    base = cid * rows_per_c
    n = rows_per_c // chunk

    def in_copy(j, slot):
        return pltpu.make_async_copy(
            table_hbm.at[pl.ds(base + j * chunk, chunk), :], buf.at[slot],
            in_sems.at[slot])

    def out_copy(j, slot):
        return pltpu.make_async_copy(
            buf.at[slot], out_hbm.at[pl.ds(base + j * chunk, chunk), :],
            out_sems.at[slot])

    @pl.when(sid == 0)
    def _():
        for j in range(min(nslots, n)):
            in_copy(j, j).start()
        for j in range(n):
            if j >= 1 and j + nslots - 1 < n:
                out_copy(j - 1, (j - 1) % nslots).wait()
                in_copy(j + nslots - 1, (j - 1) % nslots).start()
            in_copy(j, j % nslots).wait()
            out_copy(j, j % nslots).start()
        for j in range(max(0, n - nslots), n):
            out_copy(j, j % nslots).wait()


def kernel(inputs, table):
    seq_len = inputs.shape[-1]
    rows, dim = table.shape
    assert seq_len == rows
    rows_per_c = rows // _NC
    chunk = 512
    nslots = 3
    mesh = plsc.VectorSubcoreMesh(core_axis_name="c", subcore_axis_name="s")
    f = functools.partial(_sc_copy, rows_per_c=rows_per_c, chunk=chunk,
                          nslots=nslots)
    return pl.kernel(
        f,
        mesh=mesh,
        out_type=jax.ShapeDtypeStruct((rows, dim), table.dtype),
        scratch_types=[
            pltpu.MemorySpace.VMEM_SHARED((nslots, chunk, dim), jnp.float32),
            pltpu.SemaphoreType.DMA((nslots,)),
            pltpu.SemaphoreType.DMA((nslots,)),
        ],
    )(table)

# --- scband reference (transcript-rebuilt; emitter-appended) ---
"""Pipeline reference for scband-position-embedding-layer-36670430773677 (READ-ONLY COPY).

The authoritative reference and input builder live on the scoring server;
editing this copy changes nothing except your own understanding.
"""

import jax, jax.numpy as jnp
import numpy as np

MAX_LEN = 4096
OUTPUT_DIM = 1024

def get_position_encoding(seq_len, d, n=10000):
    P = np.zeros((seq_len, d), dtype=np.float32)
    k = np.arange(seq_len, dtype=np.float64)[:, None]
    i = np.arange(d // 2, dtype=np.float64)[None, :]
    denominator = np.power(n, 2.0 * i / d)
    P[:, 0::2] = np.sin(k / denominator)
    P[:, 1::2] = np.cos(k / denominator)
    return P

def setup_inputs(seed: int = 0):
    key = jax.random.key(seed)
    inputs = jax.random.randint(key, (4, 4096), 0, 32000)
    table = jnp.asarray(get_position_encoding(MAX_LEN, OUTPUT_DIM))
    return {"inputs": inputs, "table": table}

def reference(inputs, table):
    # position_indices = tf.range(tf.shape(inputs)[-1])
    seq_len = inputs.shape[-1]
    position_indices = jnp.arange(seq_len)
    # embedding lookup: table[position_indices]
    embedded_indices = jnp.take(table, position_indices, axis=0)
    return embedded_indices

if __name__ == "__main__":
    import jax
    _d = setup_inputs()
    print(jax.jit(kernel)(*tuple(_d.values())))

</pallas_src>

<mosaic_0001>
#map = affine_map<(d0, d1) -> (0, 0)>
module attributes {stable_mosaic.version = 14 : i64} {
  func.func @_sc_copy(%arg0: i32, %arg1: i32, %arg2: memref<4096x1024xf32, #tpu.memory_space<hbm>>, %arg3: memref<4096x1024xf32, #tpu.memory_space<hbm>>, %arg4: memref<3x512x1024xf32, #tpu.memory_space<vmem_shared>>, %arg5: memref<3x!tpu.dma_semaphore, #tpu.memory_space<semaphore_mem>>, %arg6: memref<3x!tpu.dma_semaphore, #tpu.memory_space<semaphore_mem>>) attributes {dimension_semantics = [#tpu.dimension_semantics<core_parallel>, #tpu.dimension_semantics<subcore_parallel>], iteration_bounds = array<i64: 2, 16>, scalar_prefetch = 0 : i64, scratch_operands = 3 : i64, tpu.core_type = #tpu.core_type<sc_vector_subcore>, window_params = [{transform_indices = #map}, {transform_indices = #map}]} {
    %mul3A = arith.constant 2048 : i32
    %mul3A_0 = arith.muli %arg0, %mul3A : i32
    %eq3A = arith.constant 0 : i32
    %eq3A_1 = arith.cmpi eq, %arg1, %eq3A : i32
    %convert_element_type3A = arith.extui %eq3A_1 : i1 to i32
    %cond3A = arith.constant 0 : i32
    %cond3A_2 = arith.cmpi ne, %convert_element_type3A, %cond3A : i32
    scf.if %cond3A_2 {
      %add3A = arith.constant 0 : i32
      %add3A_3 = arith.addi %mul3A_0, %add3A : i32
      %dma_start3A = arith.constant 0 : i32
      %dma_start3A_4 = arith.constant 0 : i32
      %dma_start3A_5 = tpu.memref_slice %arg5[%dma_start3A_4] : memref<3x!tpu.dma_semaphore, #tpu.memory_space<semaphore_mem>> -> memref<1x!tpu.dma_semaphore, #tpu.memory_space<semaphore_mem>>
      %dma_start3A_6 = tpu.memref_squeeze %dma_start3A_5 : memref<1x!tpu.dma_semaphore, #tpu.memory_space<semaphore_mem>> -> memref<!tpu.dma_semaphore, #tpu.memory_space<semaphore_mem>>
      %dma_start3A_7 = arith.constant 0 : i32
      %dma_start3A_8 = arith.constant 0 : i32
      %dma_start3A_9 = tpu.memref_slice %arg4[%dma_start3A, %dma_start3A_7, %dma_start3A_8] : memref<3x512x1024xf32, #tpu.memory_space<vmem_shared>> -> memref<1x512x1024xf32, #tpu.memory_space<vmem_shared>>
      %dma_start3A_10 = tpu.memref_squeeze %dma_start3A_9 : memref<1x512x1024xf32, #tpu.memory_space<vmem_shared>> -> memref<512x1024xf32, #tpu.memory_space<vmem_shared>>
      %dma_start3A_11 = arith.constant 0 : i32
      %dma_start3A_12 = tpu.memref_slice %arg2[%add3A_3, %dma_start3A_11] : memref<4096x1024xf32, #tpu.memory_space<hbm>> -> memref<512x1024xf32, #tpu.memory_space<hbm>>
      tpu.enqueue_dma source(%dma_start3A_12 : memref<512x1024xf32, #tpu.memory_space<hbm>>) target(%dma_start3A_10 : memref<512x1024xf32, #tpu.memory_space<vmem_shared>>) target_semaphore(%dma_start3A_6 : memref<!tpu.dma_semaphore, #tpu.memory_space<semaphore_mem>>)
      %add3A_13 = arith.constant 512 : i32
      %add3A_14 = arith.addi %mul3A_0, %add3A_13 : i32
      %dma_start3A_15 = arith.constant 1 : i32
      %dma_start3A_16 = arith.constant 1 : i32
      %dma_start3A_17 = tpu.memref_slice %arg5[%dma_start3A_16] : memref<3x!tpu.dma_semaphore, #tpu.memory_space<semaphore_mem>> -> memref<1x!tpu.dma_semaphore, #tpu.memory_space<semaphore_mem>>
      %dma_start3A_18 = tpu.memref_squeeze %dma_start3A_17 : memref<1x!tpu.dma_semaphore, #tpu.memory_space<semaphore_mem>> -> memref<!tpu.dma_semaphore, #tpu.memory_space<semaphore_mem>>
      %dma_start3A_19 = arith.constant 0 : i32
      %dma_start3A_20 = arith.constant 0 : i32
      %dma_start3A_21 = tpu.memref_slice %arg4[%dma_start3A_15, %dma_start3A_19, %dma_start3A_20] : memref<3x512x1024xf32, #tpu.memory_space<vmem_shared>> -> memref<1x512x1024xf32, #tpu.memory_space<vmem_shared>>
      %dma_start3A_22 = tpu.memref_squeeze %dma_start3A_21 : memref<1x512x1024xf32, #tpu.memory_space<vmem_shared>> -> memref<512x1024xf32, #tpu.memory_space<vmem_shared>>
      %dma_start3A_23 = arith.constant 0 : i32
      %dma_start3A_24 = tpu.memref_slice %arg2[%add3A_14, %dma_start3A_23] : memref<4096x1024xf32, #tpu.memory_space<hbm>> -> memref<512x1024xf32, #tpu.memory_space<hbm>>
      tpu.enqueue_dma source(%dma_start3A_24 : memref<512x1024xf32, #tpu.memory_space<hbm>>) target(%dma_start3A_22 : memref<512x1024xf32, #tpu.memory_space<vmem_shared>>) target_semaphore(%dma_start3A_18 : memref<!tpu.dma_semaphore, #tpu.memory_space<semaphore_mem>>)
      %add3A_25 = arith.constant 1024 : i32
      %add3A_26 = arith.addi %mul3A_0, %add3A_25 : i32
      %dma_start3A_27 = arith.constant 2 : i32
      %dma_start3A_28 = arith.constant 2 : i32
      %dma_start3A_29 = tpu.memref_slice %arg5[%dma_start3A_28] : memref<3x!tpu.dma_semaphore, #tpu.memory_space<semaphore_mem>> -> memref<1x!tpu.dma_semaphore, #tpu.memory_space<semaphore_mem>>
      %dma_start3A_30 = tpu.memref_squeeze %dma_start3A_29 : memref<1x!tpu.dma_semaphore, #tpu.memory_space<semaphore_mem>> -> memref<!tpu.dma_semaphore, #tpu.memory_space<semaphore_mem>>
      %dma_start3A_31 = arith.constant 0 : i32
      %dma_start3A_32 = arith.constant 0 : i32
      %dma_start3A_33 = tpu.memref_slice %arg4[%dma_start3A_27, %dma_start3A_31, %dma_start3A_32] : memref<3x512x1024xf32, #tpu.memory_space<vmem_shared>> -> memref<1x512x1024xf32, #tpu.memory_space<vmem_shared>>
      %dma_start3A_34 = tpu.memref_squeeze %dma_start3A_33 : memref<1x512x1024xf32, #tpu.memory_space<vmem_shared>> -> memref<512x1024xf32, #tpu.memory_space<vmem_shared>>
      %dma_start3A_35 = arith.constant 0 : i32
      %dma_start3A_36 = tpu.memref_slice %arg2[%add3A_26, %dma_start3A_35] : memref<4096x1024xf32, #tpu.memory_space<hbm>> -> memref<512x1024xf32, #tpu.memory_space<hbm>>
      tpu.enqueue_dma source(%dma_start3A_36 : memref<512x1024xf32, #tpu.memory_space<hbm>>) target(%dma_start3A_34 : memref<512x1024xf32, #tpu.memory_space<vmem_shared>>) target_semaphore(%dma_start3A_30 : memref<!tpu.dma_semaphore, #tpu.memory_space<semaphore_mem>>)
      %add3A_37 = arith.constant 0 : i32
      %add3A_38 = arith.addi %mul3A_0, %add3A_37 : i32
      %dma_wait3A = arith.constant 0 : i32
      %dma_wait3A_39 = arith.constant 0 : i32
      %dma_wait3A_40 = tpu.memref_slice %arg5[%dma_wait3A_39] : memref<3x!tpu.dma_semaphore, #tpu.memory_space<semaphore_mem>> -> memref<1x!tpu.dma_semaphore, #tpu.memory_space<semaphore_mem>>
      %dma_wait3A_41 = tpu.memref_squeeze %dma_wait3A_40 : memref<1x!tpu.dma_semaphore, #tpu.memory_space<semaphore_mem>> -> memref<!tpu.dma_semaphore, #tpu.memory_space<semaphore_mem>>
      %dma_wait3A_42 = arith.constant 0 : i32
      %dma_wait3A_43 = arith.constant 0 : i32
      %dma_wait3A_44 = tpu.memref_slice %arg4[%dma_wait3A, %dma_wait3A_42, %dma_wait3A_43] : memref<3x512x1024xf32, #tpu.memory_space<vmem_shared>> -> memref<1x512x1024xf32, #tpu.memory_space<vmem_shared>>
      %dma_wait3A_45 = tpu.memref_squeeze %dma_wait3A_44 : memref<1x512x1024xf32, #tpu.memory_space<vmem_shared>> -> memref<512x1024xf32, #tpu.memory_space<vmem_shared>>
      %dma_wait3A_46 = arith.constant 0 : i32
      %dma_wait3A_47 = tpu.memref_slice %arg2[%add3A_38, %dma_wait3A_46] : memref<4096x1024xf32, #tpu.memory_space<hbm>> -> memref<512x1024xf32, #tpu.memory_space<hbm>>
      tpu.wait_dma2 semaphore(%dma_wait3A_41 : memref<!tpu.dma_semaphore, #tpu.memory_space<semaphore_mem>>) src(%dma_wait3A_47 : memref<512x1024xf32, #tpu.memory_space<hbm>>) dst(%dma_wait3A_45 : memref<512x1024xf32, #tpu.memory_space<vmem_shared>>)
      %add3A_48 = arith.constant 0 : i32
      %add3A_49 = arith.addi %mul3A_0, %add3A_48 : i32
      %dma_start3A_50 = arith.constant 0 : i32
      %dma_start3A_51 = arith.constant 0 : i32
      %dma_start3A_52 = tpu.memref_slice %arg6[%dma_start3A_51] : memref<3x!tpu.dma_semaphore, #tpu.memory_space<semaphore_mem>> -> memref<1x!tpu.dma_semaphore, #tpu.memory_space<semaphore_mem>>
      %dma_start3A_53 = tpu.memref_squeeze %dma_start3A_52 : memref<1x!tpu.dma_semaphore, #tpu.memory_space<semaphore_mem>> -> memref<!tpu.dma_semaphore, #tpu.memory_space<semaphore_mem>>
      %dma_start3A_54 = arith.constant 0 : i32
      %dma_start3A_55 = tpu.memref_slice %arg3[%add3A_49, %dma_start3A_54] : memref<4096x1024xf32, #tpu.memory_space<hbm>> -> memref<512x1024xf32, #tpu.memory_space<hbm>>
      %dma_start3A_56 = arith.constant 0 : i32
      %dma_start3A_57 = arith.constant 0 : i32
      %dma_start3A_58 = tpu.memref_slice %arg4[%dma_start3A_50, %dma_start3A_56, %dma_start3A_57] : memref<3x512x1024xf32, #tpu.memory_space<vmem_shared>> -> memref<1x512x1024xf32, #tpu.memory_space<vmem_shared>>
      %dma_start3A_59 = tpu.memref_squeeze %dma_start3A_58 : memref<1x512x1024xf32, #tpu.memory_space<vmem_shared>> -> memref<512x1024xf32, #tpu.memory_space<vmem_shared>>
      tpu.enqueue_dma source(%dma_start3A_59 : memref<512x1024xf32, #tpu.memory_space<vmem_shared>>) target(%dma_start3A_55 : memref<512x1024xf32, #tpu.memory_space<hbm>>) target_semaphore(%dma_start3A_53 : memref<!tpu.dma_semaphore, #tpu.memory_space<semaphore_mem>>)
      %add3A_60 = arith.constant 0 : i32
      %add3A_61 = arith.addi %mul3A_0, %add3A_60 : i32
      %dma_wait3A_62 = arith.constant 0 : i32
      %dma_wait3A_63 = arith.constant 0 : i32
      %dma_wait3A_64 = tpu.memref_slice %arg6[%dma_wait3A_63] : memref<3x!tpu.dma_semaphore, #tpu.memory_space<semaphore_mem>> -> memref<1x!tpu.dma_semaphore, #tpu.memory_space<semaphore_mem>>
      %dma_wait3A_65 = tpu.memref_squeeze %dma_wait3A_64 : memref<1x!tpu.dma_semaphore, #tpu.memory_space<semaphore_mem>> -> memref<!tpu.dma_semaphore, #tpu.memory_space<semaphore_mem>>
      %dma_wait3A_66 = arith.constant 0 : i32
      %dma_wait3A_67 = tpu.memref_slice %arg3[%add3A_61, %dma_wait3A_66] : memref<4096x1024xf32, #tpu.memory_space<hbm>> -> memref<512x1024xf32, #tpu.memory_space<hbm>>
      %dma_wait3A_68 = arith.constant 0 : i32
      %dma_wait3A_69 = arith.constant 0 : i32
      %dma_wait3A_70 = tpu.memref_slice %arg4[%dma_wait3A_62, %dma_wait3A_68, %dma_wait3A_69] : memref<3x512x1024xf32, #tpu.memory_space<vmem_shared>> -> memref<1x512x1024xf32, #tpu.memory_space<vmem_shared>>
      %dma_wait3A_71 = tpu.memref_squeeze %dma_wait3A_70 : memref<1x512x1024xf32, #tpu.memory_space<vmem_shared>> -> memref<512x1024xf32, #tpu.memory_space<vmem_shared>>
      tpu.wait_dma2 semaphore(%dma_wait3A_65 : memref<!tpu.dma_semaphore, #tpu.memory_space<semaphore_mem>>) src(%dma_wait3A_71 : memref<512x1024xf32, #tpu.memory_space<vmem_shared>>) dst(%dma_wait3A_67 : memref<512x1024xf32, #tpu.memory_space<hbm>>)
      %add3A_72 = arith.constant 1536 : i32
      %add3A_73 = arith.addi %mul3A_0, %add3A_72 : i32
      %dma_start3A_74 = arith.constant 0 : i32
      %dma_start3A_75 = arith.constant 0 : i32
      %dma_start3A_76 = tpu.memref_slice %arg5[%dma_start3A_75] : memref<3x!tpu.dma_semaphore, #tpu.memory_space<semaphore_mem>> -> memref<1x!tpu.dma_semaphore, #tpu.memory_space<semaphore_mem>>
      %dma_start3A_77 = tpu.memref_squeeze %dma_start3A_76 : memref<1x!tpu.dma_semaphore, #tpu.memory_space<semaphore_mem>> -> memref<!tpu.dma_semaphore, #tpu.memory_space<semaphore_mem>>
      %dma_start3A_78 = arith.constant 0 : i32
      %dma_start3A_79 = arith.constant 0 : i32
      %dma_start3A_80 = tpu.memref_slice %arg4[%dma_start3A_74, %dma_start3A_78, %dma_start3A_79] : memref<3x512x1024xf32, #tpu.memory_space<vmem_shared>> -> memref<1x512x1024xf32, #tpu.memory_space<vmem_shared>>
      %dma_start3A_81 = tpu.memref_squeeze %dma_start3A_80 : memref<1x512x1024xf32, #tpu.memory_space<vmem_shared>> -> memref<512x1024xf32, #tpu.memory_space<vmem_shared>>
      %dma_start3A_82 = arith.constant 0 : i32
      %dma_start3A_83 = tpu.memref_slice %arg2[%add3A_73, %dma_start3A_82] : memref<4096x1024xf32, #tpu.memory_space<hbm>> -> memref<512x1024xf32, #tpu.memory_space<hbm>>
      tpu.enqueue_dma source(%dma_start3A_83 : memref<512x1024xf32, #tpu.memory_space<hbm>>) target(%dma_start3A_81 : memref<512x1024xf32, #tpu.memory_space<vmem_shared>>) target_semaphore(%dma_start3A_77 : memref<!tpu.dma_semaphore, #tpu.memory_space<semaphore_mem>>)
      %add3A_84 = arith.constant 512 : i32
      %add3A_85 = arith.addi %mul3A_0, %add3A_84 : i32
      %dma_wait3A_86 = arith.constant 1 : i32
      %dma_wait3A_87 = arith.constant 1 : i32
      %dma_wait3A_88 = tpu.memref_slice %arg5[%dma_wait3A_87] : memref<3x!tpu.dma_semaphore, #tpu.memory_space<semaphore_mem>> -> memref<1x!tpu.dma_semaphore, #tpu.memory_space<semaphore_mem>>
      %dma_wait3A_89 = tpu.memref_squeeze %dma_wait3A_88 : memref<1x!tpu.dma_semaphore, #tpu.memory_space<semaphore_mem>> -> memref<!tpu.dma_semaphore, #tpu.memory_space<semaphore_mem>>
      %dma_wait3A_90 = arith.constant 0 : i32
      %dma_wait3A_91 = arith.constant 0 : i32
      %dma_wait3A_92 = tpu.memref_slice %arg4[%dma_wait3A_86, %dma_wait3A_90, %dma_wait3A_91] : memref<3x512x1024xf32, #tpu.memory_space<vmem_shared>> -> memref<1x512x1024xf32, #tpu.memory_space<vmem_shared>>
      %dma_wait3A_93 = tpu.memref_squeeze %dma_wait3A_92 : memref<1x512x1024xf32, #tpu.memory_space<vmem_shared>> -> memref<512x1024xf32, #tpu.memory_space<vmem_shared>>
      %dma_wait3A_94 = arith.constant 0 : i32
      %dma_wait3A_95 = tpu.memref_slice %arg2[%add3A_85, %dma_wait3A_94] : memref<4096x1024xf32, #tpu.memory_space<hbm>> -> memref<512x1024xf32, #tpu.memory_space<hbm>>
      tpu.wait_dma2 semaphore(%dma_wait3A_89 : memref<!tpu.dma_semaphore, #tpu.memory_space<semaphore_mem>>) src(%dma_wait3A_95 : memref<512x1024xf32, #tpu.memory_space<hbm>>) dst(%dma_wait3A_93 : memref<512x1024xf32, #tpu.memory_space<vmem_shared>>)
      %add3A_96 = arith.constant 512 : i32
      %add3A_97 = arith.addi %mul3A_0, %add3A_96 : i32
      %dma_start3A_98 = arith.constant 1 : i32
      %dma_start3A_99 = arith.constant 1 : i32
      %dma_start3A_100 = tpu.memref_slice %arg6[%dma_start3A_99] : memref<3x!tpu.dma_semaphore, #tpu.memory_space<semaphore_mem>> -> memref<1x!tpu.dma_semaphore, #tpu.memory_space<semaphore_mem>>
      %dma_start3A_101 = tpu.memref_squeeze %dma_start3A_100 : memref<1x!tpu.dma_semaphore, #tpu.memory_space<semaphore_mem>> -> memref<!tpu.dma_semaphore, #tpu.memory_space<semaphore_mem>>
      %dma_start3A_102 = arith.constant 0 : i32
      %dma_start3A_103 = tpu.memref_slice %arg3[%add3A_97, %dma_start3A_102] : memref<4096x1024xf32, #tpu.memory_space<hbm>> -> memref<512x1024xf32, #tpu.memory_space<hbm>>
      %dma_start3A_104 = arith.constant 0 : i32
      %dma_start3A_105 = arith.constant 0 : i32
      %dma_start3A_106 = tpu.memref_slice %arg4[%dma_start3A_98, %dma_start3A_104, %dma_start3A_105] : memref<3x512x1024xf32, #tpu.memory_space<vmem_shared>> -> memref<1x512x1024xf32, #tpu.memory_space<vmem_shared>>
      %dma_start3A_107 = tpu.memref_squeeze %dma_start3A_106 : memref<1x512x1024xf32, #tpu.memory_space<vmem_shared>> -> memref<512x1024xf32, #tpu.memory_space<vmem_shared>>
      tpu.enqueue_dma source(%dma_start3A_107 : memref<512x1024xf32, #tpu.memory_space<vmem_shared>>) target(%dma_start3A_103 : memref<512x1024xf32, #tpu.memory_space<hbm>>) target_semaphore(%dma_start3A_101 : memref<!tpu.dma_semaphore, #tpu.memory_space<semaphore_mem>>)
      %add3A_108 = arith.constant 1024 : i32
      %add3A_109 = arith.addi %mul3A_0, %add3A_108 : i32
      %dma_wait3A_110 = arith.constant 2 : i32
      %dma_wait3A_111 = arith.constant 2 : i32
      %dma_wait3A_112 = tpu.memref_slice %arg5[%dma_wait3A_111] : memref<3x!tpu.dma_semaphore, #tpu.memory_space<semaphore_mem>> -> memref<1x!tpu.dma_semaphore, #tpu.memory_space<semaphore_mem>>
      %dma_wait3A_113 = tpu.memref_squeeze %dma_wait3A_112 : memref<1x!tpu.dma_semaphore, #tpu.memory_space<semaphore_mem>> -> memref<!tpu.dma_semaphore, #tpu.memory_space<semaphore_mem>>
      %dma_wait3A_114 = arith.constant 0 : i32
      %dma_wait3A_115 = arith.constant 0 : i32
      %dma_wait3A_116 = tpu.memref_slice %arg4[%dma_wait3A_110, %dma_wait3A_114, %dma_wait3A_115] : memref<3x512x1024xf32, #tpu.memory_space<vmem_shared>> -> memref<1x512x1024xf32, #tpu.memory_space<vmem_shared>>
      %dma_wait3A_117 = tpu.memref_squeeze %dma_wait3A_116 : memref<1x512x1024xf32, #tpu.memory_space<vmem_shared>> -> memref<512x1024xf32, #tpu.memory_space<vmem_shared>>
      %dma_wait3A_118 = arith.constant 0 : i32
      %dma_wait3A_119 = tpu.memref_slice %arg2[%add3A_109, %dma_wait3A_118] : memref<4096x1024xf32, #tpu.memory_space<hbm>> -> memref<512x1024xf32, #tpu.memory_space<hbm>>
      tpu.wait_dma2 semaphore(%dma_wait3A_113 : memref<!tpu.dma_semaphore, #tpu.memory_space<semaphore_mem>>) src(%dma_wait3A_119 : memref<512x1024xf32, #tpu.memory_space<hbm>>) dst(%dma_wait3A_117 : memref<512x1024xf32, #tpu.memory_space<vmem_shared>>)
      %add3A_120 = arith.constant 1024 : i32
      %add3A_121 = arith.addi %mul3A_0, %add3A_120 : i32
      %dma_start3A_122 = arith.constant 2 : i32
      %dma_start3A_123 = arith.constant 2 : i32
      %dma_start3A_124 = tpu.memref_slice %arg6[%dma_start3A_123] : memref<3x!tpu.dma_semaphore, #tpu.memory_space<semaphore_mem>> -> memref<1x!tpu.dma_semaphore, #tpu.memory_space<semaphore_mem>>
      %dma_start3A_125 = tpu.memref_squeeze %dma_start3A_124 : memref<1x!tpu.dma_semaphore, #tpu.memory_space<semaphore_mem>> -> memref<!tpu.dma_semaphore, #tpu.memory_space<semaphore_mem>>
      %dma_start3A_126 = arith.constant 0 : i32
      %dma_start3A_127 = tpu.memref_slice %arg3[%add3A_121, %dma_start3A_126] : memref<4096x1024xf32, #tpu.memory_space<hbm>> -> memref<512x1024xf32, #tpu.memory_space<hbm>>
      %dma_start3A_128 = arith.constant 0 : i32
      %dma_start3A_129 = arith.constant 0 : i32
      %dma_start3A_130 = tpu.memref_slice %arg4[%dma_start3A_122, %dma_start3A_128, %dma_start3A_129] : memref<3x512x1024xf32, #tpu.memory_space<vmem_shared>> -> memref<1x512x1024xf32, #tpu.memory_space<vmem_shared>>
      %dma_start3A_131 = tpu.memref_squeeze %dma_start3A_130 : memref<1x512x1024xf32, #tpu.memory_space<vmem_shared>> -> memref<512x1024xf32, #tpu.memory_space<vmem_shared>>
      tpu.enqueue_dma source(%dma_start3A_131 : memref<512x1024xf32, #tpu.memory_space<vmem_shared>>) target(%dma_start3A_127 : memref<512x1024xf32, #tpu.memory_space<hbm>>) target_semaphore(%dma_start3A_125 : memref<!tpu.dma_semaphore, #tpu.memory_space<semaphore_mem>>)
      %add3A_132 = arith.constant 1536 : i32
      %add3A_133 = arith.addi %mul3A_0, %add3A_132 : i32
      %dma_wait3A_134 = arith.constant 0 : i32
      %dma_wait3A_135 = arith.constant 0 : i32
      %dma_wait3A_136 = tpu.memref_slice %arg5[%dma_wait3A_135] : memref<3x!tpu.dma_semaphore, #tpu.memory_space<semaphore_mem>> -> memref<1x!tpu.dma_semaphore, #tpu.memory_space<semaphore_mem>>
      %dma_wait3A_137 = tpu.memref_squeeze %dma_wait3A_136 : memref<1x!tpu.dma_semaphore, #tpu.memory_space<semaphore_mem>> -> memref<!tpu.dma_semaphore, #tpu.memory_space<semaphore_mem>>
      %dma_wait3A_138 = arith.constant 0 : i32
      %dma_wait3A_139 = arith.constant 0 : i32
      %dma_wait3A_140 = tpu.memref_slice %arg4[%dma_wait3A_134, %dma_wait3A_138, %dma_wait3A_139] : memref<3x512x1024xf32, #tpu.memory_space<vmem_shared>> -> memref<1x512x1024xf32, #tpu.memory_space<vmem_shared>>
      %dma_wait3A_141 = tpu.memref_squeeze %dma_wait3A_140 : memref<1x512x1024xf32, #tpu.memory_space<vmem_shared>> -> memref<512x1024xf32, #tpu.memory_space<vmem_shared>>
      %dma_wait3A_142 = arith.constant 0 : i32
      %dma_wait3A_143 = tpu.memref_slice %arg2[%add3A_133, %dma_wait3A_142] : memref<4096x1024xf32, #tpu.memory_space<hbm>> -> memref<512x1024xf32, #tpu.memory_space<hbm>>
      tpu.wait_dma2 semaphore(%dma_wait3A_137 : memref<!tpu.dma_semaphore, #tpu.memory_space<semaphore_mem>>) src(%dma_wait3A_143 : memref<512x1024xf32, #tpu.memory_space<hbm>>) dst(%dma_wait3A_141 : memref<512x1024xf32, #tpu.memory_space<vmem_shared>>)
      %add3A_144 = arith.constant 1536 : i32
      %add3A_145 = arith.addi %mul3A_0, %add3A_144 : i32
      %dma_start3A_146 = arith.constant 0 : i32
      %dma_start3A_147 = arith.constant 0 : i32
      %dma_start3A_148 = tpu.memref_slice %arg6[%dma_start3A_147] : memref<3x!tpu.dma_semaphore, #tpu.memory_space<semaphore_mem>> -> memref<1x!tpu.dma_semaphore, #tpu.memory_space<semaphore_mem>>
      %dma_start3A_149 = tpu.memref_squeeze %dma_start3A_148 : memref<1x!tpu.dma_semaphore, #tpu.memory_space<semaphore_mem>> -> memref<!tpu.dma_semaphore, #tpu.memory_space<semaphore_mem>>
      %dma_start3A_150 = arith.constant 0 : i32
      %dma_start3A_151 = tpu.memref_slice %arg3[%add3A_145, %dma_start3A_150] : memref<4096x1024xf32, #tpu.memory_space<hbm>> -> memref<512x1024xf32, #tpu.memory_space<hbm>>
      %dma_start3A_152 = arith.constant 0 : i32
      %dma_start3A_153 = arith.constant 0 : i32
      %dma_start3A_154 = tpu.memref_slice %arg4[%dma_start3A_146, %dma_start3A_152, %dma_start3A_153] : memref<3x512x1024xf32, #tpu.memory_space<vmem_shared>> -> memref<1x512x1024xf32, #tpu.memory_space<vmem_shared>>
      %dma_start3A_155 = tpu.memref_squeeze %dma_start3A_154 : memref<1x512x1024xf32, #tpu.memory_space<vmem_shared>> -> memref<512x1024xf32, #tpu.memory_space<vmem_shared>>
      tpu.enqueue_dma source(%dma_start3A_155 : memref<512x1024xf32, #tpu.memory_space<vmem_shared>>) target(%dma_start3A_151 : memref<512x1024xf32, #tpu.memory_space<hbm>>) target_semaphore(%dma_start3A_149 : memref<!tpu.dma_semaphore, #tpu.memory_space<semaphore_mem>>)
      %add3A_156 = arith.constant 512 : i32
      %add3A_157 = arith.addi %mul3A_0, %add3A_156 : i32
      %dma_wait3A_158 = arith.constant 1 : i32
      %dma_wait3A_159 = arith.constant 1 : i32
      %dma_wait3A_160 = tpu.memref_slice %arg6[%dma_wait3A_159] : memref<3x!tpu.dma_semaphore, #tpu.memory_space<semaphore_mem>> -> memref<1x!tpu.dma_semaphore, #tpu.memory_space<semaphore_mem>>
      %dma_wait3A_161 = tpu.memref_squeeze %dma_wait3A_160 : memref<1x!tpu.dma_semaphore, #tpu.memory_space<semaphore_mem>> -> memref<!tpu.dma_semaphore, #tpu.memory_space<semaphore_mem>>
      %dma_wait3A_162 = arith.constant 0 : i32
      %dma_wait3A_163 = tpu.memref_slice %arg3[%add3A_157, %dma_wait3A_162] : memref<4096x1024xf32, #tpu.memory_space<hbm>> -> memref<512x1024xf32, #tpu.memory_space<hbm>>
      %dma_wait3A_164 = arith.constant 0 : i32
      %dma_wait3A_165 = arith.constant 0 : i32
      %dma_wait3A_166 = tpu.memref_slice %arg4[%dma_wait3A_158, %dma_wait3A_164, %dma_wait3A_165] : memref<3x512x1024xf32, #tpu.memory_space<vmem_shared>> -> memref<1x512x1024xf32, #tpu.memory_space<vmem_shared>>
      %dma_wait3A_167 = tpu.memref_squeeze %dma_wait3A_166 : memref<1x512x1024xf32, #tpu.memory_space<vmem_shared>> -> memref<512x1024xf32, #tpu.memory_space<vmem_shared>>
      tpu.wait_dma2 semaphore(%dma_wait3A_161 : memref<!tpu.dma_semaphore, #tpu.memory_space<semaphore_mem>>) src(%dma_wait3A_167 : memref<512x1024xf32, #tpu.memory_space<vmem_shared>>) dst(%dma_wait3A_163 : memref<512x1024xf32, #tpu.memory_space<hbm>>)
      %add3A_168 = arith.constant 1024 : i32
      %add3A_169 = arith.addi %mul3A_0, %add3A_168 : i32
      %dma_wait3A_170 = arith.constant 2 : i32
      %dma_wait3A_171 = arith.constant 2 : i32
      %dma_wait3A_172 = tpu.memref_slice %arg6[%dma_wait3A_171] : memref<3x!tpu.dma_semaphore, #tpu.memory_space<semaphore_mem>> -> memref<1x!tpu.dma_semaphore, #tpu.memory_space<semaphore_mem>>
      %dma_wait3A_173 = tpu.memref_squeeze %dma_wait3A_172 : memref<1x!tpu.dma_semaphore, #tpu.memory_space<semaphore_mem>> -> memref<!tpu.dma_semaphore, #tpu.memory_space<semaphore_mem>>
      %dma_wait3A_174 = arith.constant 0 : i32
      %dma_wait3A_175 = tpu.memref_slice %arg3[%add3A_169, %dma_wait3A_174] : memref<4096x1024xf32, #tpu.memory_space<hbm>> -> memref<512x1024xf32, #tpu.memory_space<hbm>>
      %dma_wait3A_176 = arith.constant 0 : i32
      %dma_wait3A_177 = arith.constant 0 : i32
      %dma_wait3A_178 = tpu.memref_slice %arg4[%dma_wait3A_170, %dma_wait3A_176, %dma_wait3A_177] : memref<3x512x1024xf32, #tpu.memory_space<vmem_shared>> -> memref<1x512x1024xf32, #tpu.memory_space<vmem_shared>>
      %dma_wait3A_179 = tpu.memref_squeeze %dma_wait3A_178 : memref<1x512x1024xf32, #tpu.memory_space<vmem_shared>> -> memref<512x1024xf32, #tpu.memory_space<vmem_shared>>
      tpu.wait_dma2 semaphore(%dma_wait3A_173 : memref<!tpu.dma_semaphore, #tpu.memory_space<semaphore_mem>>) src(%dma_wait3A_179 : memref<512x1024xf32, #tpu.memory_space<vmem_shared>>) dst(%dma_wait3A_175 : memref<512x1024xf32, #tpu.memory_space<hbm>>)
      %add3A_180 = arith.constant 1536 : i32
      %add3A_181 = arith.addi %mul3A_0, %add3A_180 : i32
      %dma_wait3A_182 = arith.constant 0 : i32
      %dma_wait3A_183 = arith.constant 0 : i32
      %dma_wait3A_184 = tpu.memref_slice %arg6[%dma_wait3A_183] : memref<3x!tpu.dma_semaphore, #tpu.memory_space<semaphore_mem>> -> memref<1x!tpu.dma_semaphore, #tpu.memory_space<semaphore_mem>>
      %dma_wait3A_185 = tpu.memref_squeeze %dma_wait3A_184 : memref<1x!tpu.dma_semaphore, #tpu.memory_space<semaphore_mem>> -> memref<!tpu.dma_semaphore, #tpu.memory_space<semaphore_mem>>
      %dma_wait3A_186 = arith.constant 0 : i32
      %dma_wait3A_187 = tpu.memref_slice %arg3[%add3A_181, %dma_wait3A_186] : memref<4096x1024xf32, #tpu.memory_space<hbm>> -> memref<512x1024xf32, #tpu.memory_space<hbm>>
      %dma_wait3A_188 = arith.constant 0 : i32
      %dma_wait3A_189 = arith.constant 0 : i32
      %dma_wait3A_190 = tpu.memref_slice %arg4[%dma_wait3A_182, %dma_wait3A_188, %dma_wait3A_189] : memref<3x512x1024xf32, #tpu.memory_space<vmem_shared>> -> memref<1x512x1024xf32, #tpu.memory_space<vmem_shared>>
      %dma_wait3A_191 = tpu.memref_squeeze %dma_wait3A_190 : memref<1x512x1024xf32, #tpu.memory_space<vmem_shared>> -> memref<512x1024xf32, #tpu.memory_space<vmem_shared>>
      tpu.wait_dma2 semaphore(%dma_wait3A_185 : memref<!tpu.dma_semaphore, #tpu.memory_space<semaphore_mem>>) src(%dma_wait3A_191 : memref<512x1024xf32, #tpu.memory_space<vmem_shared>>) dst(%dma_wait3A_187 : memref<512x1024xf32, #tpu.memory_space<hbm>>)
    } else {
    }
    return
  }
}

</mosaic_0001>

<sc_bundles>
// kernel: kernel.3.cloned.1.call-start
scs
__scs_entry_jumppad:
0x0: {  	(pc) =	sbr.rel $0x88, $3  }
0x1: {  	(tag) =	ssettag $0x0;
	lr =	simm.s32 $0x1  }
0x2: {  	[smem:$0x3FA0] =	sst lr;
	_ =	strace $0xD0000000  }
0x3: {  	_ = 	snop  }
0x4: {  	_ = 	snop  }
0x5: {  	_ = 	snop  }
0x6: {  	_ = 	snop  }
0x7: {  	_ = 	snop  }
__scs_overlays_trampoline_lowered:
0x8: {  	[smem:$0x3FAF] =	sst s0  }
0x9: {  	[smem:$0x3FB0] =	sst s1  }
0xa: {  	[smem:$0x3FB1] =	sst s2  }
0xb: {  	[smem:$0x3FB2] =	sst s3  }
0xc: {  	[smem:$0x3FB3] =	sst s4  }
0xd: {  	[smem:$0x3FB4] =	sst s5  }
0xe: {  	[smem:$0x3FB5] =	sst s6  }
0xf: {  	[smem:$0x3FB6] =	sst s7  }
0x10: {  	[smem:$0x3FB7] =	sst s8  }
0x11: {  	[smem:$0x3FB8] =	sst s9;
	s0 =	simm.s32 @!p0 $0x0  }
0x12: {  	s1 =	sld [smem:$0x3F9E];
	s0 =	simm.s32 @p0 $0x1  }
0x13: {  	[smem:$0x3FB9] =	sst s0;
	s0 =	simm.s32 @!p1 $0x0  }
0x14: {  	s2 =	sld [smem:$0x3F9D];
	s0 =	simm.s32 @p1 $0x1  }
0x15: {  	[smem:$0x3FBA] =	sst s0;
	s0 =	simm.s32 @!p2 $0x0  }
0x16: {  	s3 =	sld [smem:$0x3FDB];
	s0 =	simm.s32 @p2 $0x1  }
0x17: {  	s4 =	simm.s32 $0x1BF5;
	[smem:$0x3FBC] =	sst s0  }
0x18: {  	s0 =	sld [smem:$0x3F9F];
	_ =	swait.ge [sflag:s4], $0x0  }
0x19: {  	s7 =	sld [smem:$0x3FA0]  }
0x1a: {  	s8 =	sadd.s32 $0xFFFFE003, lr  }
0x1b: {  	s9 =	sadd.s32 $0xFFFFFEF7, lr;
	s5 =	simm.s32 $0xFFFFFFFF;
	p2 =	slt.u32 s8, $0xFFFFF086  }
0x1c: {  	p1 =	slt.u32 s9, $0xF7A;
	s5 =	simm.s32 @!p2 $0x0  }
0x1d: {  	s5 =	simm.s32 @p1 $0x1;
	p0 =	seq.s32 s7, s2  }
0x1e: {  	s7 =	smul.u32 @!p0 $0xF7A, s2;
	p2 =	seq.s32 @!p0 s5, $0x0  }
0x1f: {  	s9 =	smul.u32 $0xF7A, s1;
	s8 =	simm.s32 @!p0 $0x1BF5;
	p2 =	por !p2, p0  }
0x20: {  	[sflag:s8] =	ssyncset.s32 @!p0 $0xFFFFF086;
	s6 =	sadd.s32 @!p0 s3, s7;
	s7 =	simm.s32 @!p0 $0x108  }
0x21: {  	s3 =	sadd.s32 s3, s9;
	s6 =	sadd.s32 @!p0 $0x88, s6;
	s7 =	simm.s32 @p2 $0x1082  }
0x22: {  	[simem:s7], [sflag:s8] =	dma.local @!p0 [hbm:s6], $0xF7A  }
0x23: {  	s9 =	sor.u32 $0xD0000000, s2;
	s6 =	simm.s32 $0x108;
	_ =	swait.ge @!p0 [sflag:s8], $0x0  }
0x24: {  	s3 =	sadd.s32 $0x88, s3;
	s6 =	simm.s32 @!p1 $0x1082;
	[sflag:s4] =	ssyncset.s32 $0xFFFFF086  }
0x25: {  	[simem:s6], [sflag:s4] =	dma.local [hbm:s3], $0xF7A  }
0x26: {  	[smem:$0x3FA0] =	sst s1;
	(tag) =	ssettag s2;
	_ =	strace s9  }
0x27: {  	s1 =	sld [smem:$0x3FB0]  }
0x28: {  	s2 =	sld [smem:$0x3FB1]  }
0x29: {  	s4 =	sld [smem:$0x3FB3]  }
0x2a: {  	p0 =	seq.s32 s5, $0x0;
	s5 =	sld [smem:$0x3FB4]  }
0x2b: {  	s6 =	sld [smem:$0x3FB5]  }
0x2c: {  	s7 =	sld [smem:$0x3FB6]  }
0x2d: {  	s3 =	simm.s32 $0x108;
	s8 =	sld [smem:$0x3FB7]  }
0x2e: {  	s3 =	simm.s32 @!p0 $0x1082;
	s9 =	sld [smem:$0x3FB8]  }
0x2f: {  	lr =	sadd.s32 s0, s3;
	s0 =	sld [smem:$0x3FAF]  }
0x30: {  	s3 =	sld [smem:$0x3FB2]  }
0x31: {  	[smem:$0x3FBB] =	sst s10  }
0x32: {  	s10 =	sld [smem:$0x3FB9];
	_ =	sdelay $0x3  }
0x33: {  	p0 =	seq.s32 s10, $0x1;
	s10 =	sld [smem:$0x3FBB];
	_ =	sdelay $0x3  }
0x34: {  	[smem:$0x3FBB] =	sst s10  }
0x35: {  	s10 =	sld [smem:$0x3FBA];
	_ =	sdelay $0x3  }
0x36: {  	p1 =	seq.s32 s10, $0x1;
	s10 =	sld [smem:$0x3FBB];
	_ =	sdelay $0x3  }
0x37: {  	[smem:$0x3FBB] =	sst s10  }
0x38: {  	s10 =	sld [smem:$0x3FBC]  }
0x39: {  	_ = 	snop;
	(pc) =	sbr.ind lr, $3  }
0x3a: {  	_ = 	snop  }
0x3b: {  	_ = 	snop  }
0x3c: {  	p2 =	seq.s32 s10, $0x1;
	s10 =	sld [smem:$0x3FBB]  }
0x3d: {  	_ =	shalt  }
0x3e: {  	_ =	shalt  }
0x3f: {  	_ =	shalt  }
0x40: {  	_ =	shalt  }
0x41: {  	_ =	shalt  }
0x42: {  	_ =	shalt  }
0x43: {  	_ =	shalt  }
0x44: {  	_ =	shalt  }
0x45: {  	_ =	shalt  }
0x46: {  	_ =	shalt  }
0x47: {  	_ =	shalt  }
0x48: {  	_ =	shalt  }
0x49: {  	_ =	shalt  }
0x4a: {  	_ =	shalt  }
0x4b: {  	_ =	shalt  }
0x4c: {  	_ =	shalt  }
0x4d: {  	_ =	shalt  }
0x4e: {  	_ =	shalt  }
0x4f: {  	_ =	shalt  }
0x50: {  	_ =	shalt  }
0x51: {  	_ =	shalt  }
0x52: {  	_ =	shalt  }
0x53: {  	_ =	shalt  }
0x54: {  	_ =	shalt  }
0x55: {  	_ =	shalt  }
0x56: {  	_ =	shalt  }
0x57: {  	_ =	shalt  }
0x58: {  	_ =	shalt  }
0x59: {  	_ =	shalt  }
0x5a: {  	_ =	shalt  }
0x5b: {  	_ =	shalt  }
0x5c: {  	_ =	shalt  }
0x5d: {  	_ =	shalt  }
0x5e: {  	_ =	shalt  }
0x5f: {  	_ =	shalt  }
0x60: {  	_ =	shalt  }
0x61: {  	_ =	shalt  }
0x62: {  	_ =	shalt  }
0x63: {  	_ =	shalt  }
0x64: {  	_ =	shalt  }
0x65: {  	_ =	shalt  }
0x66: {  	_ =	shalt  }
0x67: {  	_ =	shalt  }
0x68: {  	_ =	shalt  }
0x69: {  	_ =	shalt  }
0x6a: {  	_ =	shalt  }
0x6b: {  	_ =	shalt  }
0x6c: {  	_ =	shalt  }
0x6d: {  	_ =	shalt  }
0x6e: {  	_ =	shalt  }
0x6f: {  	_ =	shalt  }
0x70: {  	_ =	shalt  }
0x71: {  	_ =	shalt  }
0x72: {  	_ =	shalt  }
0x73: {  	_ =	shalt  }
0x74: {  	_ =	shalt  }
0x75: {  	_ =	shalt  }
0x76: {  	_ =	shalt  }
0x77: {  	_ =	shalt  }
0x78: {  	_ =	shalt  }
0x79: {  	_ =	shalt  }
0x7a: {  	_ =	shalt  }
0x7b: {  	_ =	shalt  }
0x7c: {  	_ =	shalt  }
0x7d: {  	_ =	shalt  }
0x7e: {  	_ =	shalt  }
0x7f: {  	_ =	shalt  }
0x80: {  	_ =	shalt  }
0x81: {  	_ =	shalt  }
0x82: {  	_ =	shalt  }
0x83: {  	_ =	shalt  }
0x84: {  	_ =	shalt  }
0x85: {  	_ =	shalt  }
0x86: {  	_ =	shalt  }
0x87: {  	_ =	shalt  }
.Lfunc_end0:
.L_simem_size_0:
called_computation_lowered:
.L_overlay_start_0:
0x88: {  	s2 =	sld [smem:$0x3FD9]  }
0x89: {  	s3 =	sld [smem:$0x3FFE];
	_ =	sdelay $0x1  }
0x8a: {  	s1 =	srdreg.scid  }
0x8b: {  	s0 =	sand.u32 $0x1, s1  }
0x8c: {  	s18 =	sshll.u32 s0, $0xA;
	s2 =	sadd.s32 s3, s2  }
0x8d: {  	s2 =	sadd.s32 s2, s18  }
0x8e: {  	[smem:$0x3FC7] =	sst s2  }
0x8f: {  	_ = 	snop  }
0x90: {  	s2 =	sld [smem:$0x3FC9]  }
0x91: {  	s19 =	sld [smem:$0x3FD0];
	(tm) =	ssettm $0x1  }
0x92: {  	s4 =	sld [smem:$0x3FFB];
	_ =	sdelay $0x3  }
0x93: {  	_ =	strace s4  }
0x94: {  	s4 =	sld [smem:$0x3FFC];
	_ =	sdelay $0x3  }
0x95: {  	_ =	strace s4  }
0x96: {  	s4 =	sld [smem:$0x3FFD];
	_ =	sdelay $0x3  }
0x97: {  	_ =	strace s4  }
0x98: {  	_ =	strace $0x8FFFFFFF  }
0x99: {  	s20 =	sld [smem:$0x3FDB];
	_ =	sdelay $0x1  }
0x9a: {  	s5 =	simm.s32 $_scs_section_size  }
0x9b: {  	s6 =	simm.s32 $_size__tile_overlayer_lowered;
	s7 =	simm.s32 $_tile_overlayer_lowered  }
0x9c: {  	s23 =	simm.s32 $0x1BFF;
	s22 =	sshll.u32 s7, $0x1;
	s4 =	sadd.s32 s5, s20  }
0x9d: {  	s8 =	simm.s32 $0x0;
	s21 =	sshll.u32 s6, $0x1;
	s6 =	sadd.s32 s22, s4  }
0x9e: {  	[timem:s8], [sflag:s23] =	dma.local [hbm:s6], s21  }
0x9f: {  	_ =	swait.ge [sflag:s23], s21  }
0xa0: {  	s5 =	ssub.s32 $0x0, s21;
	[sflag:s23] =	ssyncset.done $0x0  }
0xa1: {  	[sflag:s23] =	ssyncadd.s32 s5;
	_ =	sdelay $0x1  }
0xa2: {  	s24 =	simm.s32 $0x1B8B  }
0xa3: {  	_ =	swait.ge [sflag:s24], $0x1  }
0xa4: {  	[sflag:s24] =	ssyncset.done $0x0  }
0xa5: {  	s25 =	simm.s32 $0x1B8E;
	[sflag:s24] =	ssyncadd.s32 $0xFFFFFFFF  }
0xa6: {  	s26 =	simm.s32 $execute0_lowered;
	[smem:$0x3FD2] =	sst s25  }
0xa7: {  	s5 =	sshll.u32 s26, $0x1;
	_ =	strace $0x80000046;
	[dreg:$0x1] =	wrdreg $0xFFFFFFFF  }
0xa8: {  	s28 =	simm.s32 $_size_execute0_lowered;
	s4 =	sadd.s32 s4, s5;
	[dreg:$0x0] =	wrdreg $0x0  }
0xa9: {  	s5 =	sshll.u32 s28, $0x1;
	[dreg:$0x2] =	wrdreg s4  }
0xaa: {  	[dreg:$0x3] =	wrdreg s5  }
0xab: {  	[dreg:$0x4] =	wrdreg $0xC0  }
0xac: {  	_ =	task [dreg:s8], $0x5FFFF  }
0xad: {  	[dreg:$0x1] =	wrdreg $0xFFFFFFFF  }
0xae: {  	[dreg:$0x0] =	wrdreg $0x60  }
0xaf: {  	[dreg:$0x2] =	wrdreg s2  }
0xb0: {  	[dreg:$0x3] =	wrdreg s19  }
0xb1: {  	[dreg:$0x4] =	wrdreg $0x0  }
0xb2: {  	[dreg:$0x5] =	wrdreg $0x9  }
0xb3: {  	_ =	task.clear_ibuf [dreg:s8], $0x6FFFF;
	_ =	strace $0x90000046  }
0xb4: {  	s29 =	simm.s32 $0x9;
	_ =	strace $0x80000048  }
0xb5: {  	_ =	swait.ge [sflag:s29], $0x1  }
0xb6: {  	[sflag:s29] =	ssyncadd.s32 $0xFFFFFFFF  }
0xb7: {  	_ =	strace $0x90000048  }
0xb8: {  	_ =	sfence  }
0xb9: {  	s30 =	sld [smem:$0x0];
	_ =	sdelay $0x2  }
0xba: {  	s31 =	sshll.u32 s1, $0xD;
	s1 =	sshrl.u32 s1, $0x2  }
0xbb: {  	s3 =	sand.u32 $0x4000, s31;
	s1 =	sadd.s32 s1, s30  }
0xbc: {  	s0 =	sor.u32 s3, s0;
	s1 =	sshll.u32 s1, $0x11  }
0xbd: {  	s0 =	sor.u32 s1, s0  }
0xbe: {  	s0 =	sadd.s32 $0x8F2B, s0  }
0xbf: {  	[sflag:s0] =	ssyncadd.remote.s32 $0x1  }
0xc0: {  	_ =	sfence.sel $0xFFFF  }
0xc1: {  	[dreg:$0x0] =	wrdreg $0xFFFFFFFF;
	(pc) =	sbr.abs _section_cstart, $3  }
0xc2: {  	[dreg:$0x1] =	wrdreg $0xFFFFFFFF  }
0xc3: {  	_ =	task.clear_ibuf [dreg:s8], $0x2FFFF;
	_ =	strace $0x9FFFFFFF  }
0xc4: {  	(tm) =	ssettm $0x7FFFFFFF  }
0xc5: {  	_ =	shalt  }
tec
execute0_lowered:
.L_overlay_start_1:
0x0: {  	(tag) =	ssettag $0x1  }
0x1: {  	s2 =	stileid.u32  }
0x2: {  	p0 =	sne.s32 s2, $0x0  }
.Ltmp0:
0x3: {  	s14 =	rddreg [dreg:$0x0];
	(pc) =	sbr.rel @p0 .LBB2_4-.Ltmp0, $4  }
0x4: {  	s21 =	rddreg [dreg:$0x1]  }
0x5: {  	s5 =	rddreg [dreg:$0x2];
	s1 =	simm.s32 $0x0  }
0x6: {  	[smem:$0x7FF] =	sst s1  }
0x7: {  	s0 =	rddreg [dreg:$0x3];
	_ =	strace $0x80000047  }
0x8: {  	s1 =	srdreg.scid;
	s6 =	sadd.s32 $0x80000, s5  }
0x9: {  	s8 =	sadd.s32 $0x100000, s5;
	s4 =	simm.s32 $0x1C01;
	s5 =	sshrl.u32 s5, $0x3  }
0xa: {  	s7 =	simm.s32 $0x1C02;
	s9 =	simm.s32 $0x1C03;
	s23 =	sand.u32 $0x1, s1  }
0xb: {  	s10 =	simm.s32 $0x1;
	s6 =	sshrl.u32 s6, $0x3;
	s15 =	sshll.u32 s23, $0x12  }
0xc: {  	s8 =	sshrl.u32 s8, $0x3;
	s16 =	sor.u32 $0x10000, s15;
	s19 =	sor.u32 $0x20000, s15  }
0xd: {  	s3 =	sadd.s32 s14, s15;
	s1 =	sadd.s32 s14, s16;
	s2 =	sadd.s32 s14, s19  }
0xe: {  	[spmem:s5], [sflag:s4] =	dma.local [hbm:s3], $0x10000  }
0xf: {  	[spmem:s6], [sflag:s7] =	dma.local [hbm:s1], $0x10000  }
0x10: {  	[spmem:s8], [sflag:s9] =	dma.local [hbm:s2], $0x10000  }
0x11: {  	_ =	swait.ge [sflag:s10], $0x10000  }
0x12: {  	s13 =	simm.s32 $0x1C04;
	[sflag:s10] =	ssyncset.done $0x0  }
0x13: {  	s12 =	simm.s32 $0x4;
	s11 =	sadd.s32 s21, s15;
	[sflag:s10] =	ssyncadd.s32 $0xFFFF0000  }
0x14: {  	[hbm:s11], [sflag:s13] =	dma.local [spmem:s5], $0x10000  }
0x15: {  	_ =	swait.ge [sflag:s12], $0x10000  }
0x16: {  	s22 =	sor.u32 $0x30000, s15;
	[sflag:s12] =	ssyncset.done $0x0  }
0x17: {  	s15 =	simm.s32 $0x2;
	s14 =	sadd.s32 s14, s22;
	[sflag:s12] =	ssyncadd.s32 $0xFFFF0000  }
0x18: {  	[spmem:s5], [sflag:s4] =	dma.local [hbm:s14], $0x10000  }
0x19: {  	_ =	swait.ge [sflag:s15], $0x10000  }
0x1a: {  	s17 =	simm.s32 $0x1C05;
	[sflag:s15] =	ssyncset.done $0x0  }
0x1b: {  	s18 =	simm.s32 $0x3;
	s16 =	sadd.s32 s21, s16;
	[sflag:s15] =	ssyncadd.s32 $0xFFFF0000  }
0x1c: {  	[hbm:s16], [sflag:s17] =	dma.local [spmem:s6], $0x10000  }
0x1d: {  	_ =	swait.ge [sflag:s18], $0x10000  }
0x1e: {  	[sflag:s18] =	ssyncset.done $0x0  }
0x1f: {  	s20 =	simm.s32 $0x1C06;
	s19 =	sadd.s32 s21, s19;
	[sflag:s18] =	ssyncadd.s32 $0xFFFF0000  }
0x20: {  	[hbm:s19], [sflag:s20] =	dma.local [spmem:s8], $0x10000  }
0x21: {  	s24 =	ssub.s32 $0x2, s23;
	_ =	swait.ge [sflag:s10], $0x10000  }
0x22: {  	s25 =	sshrl.u32 s24, $0x1;
	[sflag:s10] =	ssyncset.done $0x0  }
0x23: {  	s21 =	sadd.s32 s21, s22;
	s22 =	simm.s32 $0x5;
	[sflag:s10] =	ssyncadd.s32 $0xFFFF0000  }
0x24: {  	[hbm:s21], [sflag:s13] =	dma.local [spmem:s5], $0x10000  }
0x25: {  	s24 =	ssub.s32 s24, s25;
	_ =	swait.ge [sflag:s22], $0x10000  }
0x26: {  	s24 =	smax.u32 s24, $0x1;
	[sflag:s22] =	ssyncset.done $0x0  }
0x27: {  	s23 =	simm.s32 $0x6;
	p1 =	sne.s32 s24, $0x1;
	[sflag:s22] =	ssyncadd.s32 $0xFFFF0000  }
.Ltmp1:
0x28: {  	_ =	swait.ge [sflag:s23], $0x10000;
	(pc) =	sbr.rel @!p1 .LBB2_3-.Ltmp1, $4  }
0x29: {  	[sflag:s23] =	ssyncset.done $0x0  }
0x2a: {  	[sflag:s23] =	ssyncadd.s32 $0xFFFF0000  }
0x2b: {  	_ =	swait.ge [sflag:s12], $0x10000  }
0x2c: {  	s24 =	sadd.s32 $0xFFFFFFFF, s24;
	[sflag:s12] =	ssyncset.done $0x0  }
.LBB2_2:
0x2d: {  	p1 =	sne.s32 s24, $0x1;
	s24 =	sadd.s32 $0xFFFFFFFF, s24;
	[sflag:s12] =	ssyncadd.s32 $0xFFFF0000  }
0x2e: {  	[spmem:s5], [sflag:s4] =	dma.local [hbm:s3], $0x10000  }
0x2f: {  	[spmem:s6], [sflag:s7] =	dma.local [hbm:s1], $0x10000  }
0x30: {  	[spmem:s8], [sflag:s9] =	dma.local [hbm:s2], $0x10000  }
0x31: {  	_ =	swait.ge [sflag:s10], $0x10000  }
0x32: {  	[sflag:s10] =	ssyncset.done $0x0  }
0x33: {  	[sflag:s10] =	ssyncadd.s32 $0xFFFF0000  }
0x34: {  	[hbm:s11], [sflag:s13] =	dma.local [spmem:s5], $0x10000  }
0x35: {  	_ =	swait.ge [sflag:s12], $0x10000  }
0x36: {  	[sflag:s12] =	ssyncset.done $0x0  }
0x37: {  	[sflag:s12] =	ssyncadd.s32 $0xFFFF0000  }
0x38: {  	[spmem:s5], [sflag:s4] =	dma.local [hbm:s14], $0x10000  }
0x39: {  	_ =	swait.ge [sflag:s15], $0x10000  }
0x3a: {  	[sflag:s15] =	ssyncset.done $0x0  }
0x3b: {  	[sflag:s15] =	ssyncadd.s32 $0xFFFF0000  }
0x3c: {  	[hbm:s16], [sflag:s17] =	dma.local [spmem:s6], $0x10000  }
0x3d: {  	_ =	swait.ge [sflag:s18], $0x10000  }
0x3e: {  	[sflag:s18] =	ssyncset.done $0x0  }
0x3f: {  	[sflag:s18] =	ssyncadd.s32 $0xFFFF0000  }
0x40: {  	[hbm:s19], [sflag:s20] =	dma.local [spmem:s8], $0x10000  }
0x41: {  	_ =	swait.ge [sflag:s10], $0x10000  }
0x42: {  	[sflag:s10] =	ssyncset.done $0x0  }
0x43: {  	[sflag:s10] =	ssyncadd.s32 $0xFFFF0000  }
0x44: {  	[hbm:s21], [sflag:s13] =	dma.local [spmem:s5], $0x10000  }
0x45: {  	_ =	swait.ge [sflag:s22], $0x10000  }
0x46: {  	[sflag:s22] =	ssyncset.done $0x0  }
0x47: {  	[sflag:s22] =	ssyncadd.s32 $0xFFFF0000  }
.Ltmp2:
0x48: {  	_ =	swait.ge [sflag:s23], $0x10000;
	(pc) =	sbr.rel @p1 .LBB2_2-.Ltmp2, $4  }
0x49: {  	[sflag:s23] =	ssyncset.done $0x0  }
0x4a: {  	[sflag:s23] =	ssyncadd.s32 $0xFFFF0000  }
0x4b: {  	_ =	swait.ge [sflag:s12], $0x10000  }
0x4c: {  	[sflag:s12] =	ssyncset.done $0x0  }
.LBB2_3:
0x4d: {  	[sflag:s12] =	ssyncadd.s32 $0xFFFF0000  }
.LBB2_4:
0x4e: {  	_ =	sfence.sel $0x180000  }
0x4f: {  	[bflag:$0x0] =	sbarrier.arrive $0xFFFF  }
0x50: {  	_ =	strace $0x90000047  }
0x51: {  	s0 =	sadd.s32 @!p0 $0x100000, s0;
	[bflag:$0x2] =	sbarrier.arrive $0xFFFF  }
0x52: {  	[sflag:s0] =	ssyncadd.tile.s32 @!p0 $0x1;
	_ =	shalt  }
.Lfunc_end2:
_tile_overlayer_lowered:
.L_overlay_start_2:
0x53: {  	(tag) =	ssettag $0x2  }
0x54: {  	s0 =	rddreg [dreg:$0x0];
	s2 =	stileid.u32  }
0x55: {  	s1 =	rddreg [dreg:$0x1];
	p0 =	sne.s32 s2, $0x0  }
0x56: {  	s3 =	rddreg [dreg:$0x2];
	[bflag:$0x3] =	sbarrier.arrive $0xFFFF;
	s2 =	simm.s32 @!p0 $0x1C07  }
0x57: {  	[timem:s3], [sflag:s2] =	dma.local @!p0 [hbm:s0], s1  }
0x58: {  	s0 =	simm.s32 @!p0 $0x7  }
0x59: {  	_ =	swait.ge @!p0 [sflag:s0], s1  }
0x5a: {  	s1 =	ssub.s32 @!p0 $0x0, s1;
	[sflag:s0] =	ssyncset.done @!p0 $0x0  }
0x5b: {  	[sflag:s0] =	ssyncadd.s32 @!p0 s1  }
0x5c: {  	[bflag:$0x3] =	sbarrier.arrive $0xFFFF  }
0x5d: {  	_ =	shalt  }

</sc_bundles>
